<compile_context>
chip_gen: v7x
topology: tpu7x:2x2x1
jax: 0.10.2.dev20260603
libtpu: 0.0.44.dev20260713+nightly
codegen_flags: <defaults>
</compile_context>

<pallas_src>
import functools

import jax
import jax.numpy as jnp
from jax import lax
from jax.experimental import pallas as pl
from jax.experimental.pallas import tpu as pltpu
from jax.experimental.pallas import tpu_sc as plsc

B = 4
N_PER = 2048
M_PER = 8192
C = 128
K = 3

ROW_BLK = 512


def _top3_kernel(q_ref, kt_ref, idx_ref, w_ref, *, base_b):
    b = pl.program_id(0)
    q = q_ref[0]
    kt = kt_ref[0]

    score = jnp.zeros((ROW_BLK, M_PER), dtype=jnp.float32)
    for d in range(3):
        diff = q[:, d : d + 1] - kt[d : d + 1, :]
        score = score + diff * diff

    fiota = lax.broadcasted_iota(jnp.int32, (1, M_PER), 1).astype(jnp.float32)
    fbig = jnp.float32(M_PER)

    vals = []
    idxs = []
    for j in range(K):
        m = jnp.min(score, axis=1, keepdims=True)
        fim = jnp.min(
            jnp.where(score <= m, fiota, fbig), axis=1, keepdims=True
        )
        vals.append(m)
        idxs.append(fim.astype(jnp.int32))
        if j < K - 1:
            score = jnp.where(fiota == fim, jnp.float32(jnp.inf), score)

    dist = jnp.sqrt(jnp.concatenate(vals, axis=1))
    recip = 1.0 / (dist + 1e-8)
    w = recip / jnp.sum(recip, axis=1, keepdims=True)

    gidx = jnp.concatenate(idxs, axis=1) + (b + base_b) * M_PER
    idx_ref[0] = gidx
    w_ref[0] = w


def _stage1(cur_xyz, known_t, nb, base_b):
    grid = (nb, N_PER // ROW_BLK)
    return pl.pallas_call(
        functools.partial(_top3_kernel, base_b=base_b),
        grid=grid,
        in_specs=[
            pl.BlockSpec((1, ROW_BLK, 3), lambda b, n: (b, n, 0)),
            pl.BlockSpec((1, 3, M_PER), lambda b, n: (b, 0, 0)),
        ],
        out_specs=[
            pl.BlockSpec((1, ROW_BLK, K), lambda b, n: (b, n, 0)),
            pl.BlockSpec((1, ROW_BLK, K), lambda b, n: (b, n, 0)),
        ],
        out_shape=[
            jax.ShapeDtypeStruct((nb, N_PER, K), jnp.int32),
            jax.ShapeDtypeStruct((nb, N_PER, K), jnp.float32),
        ],
    )(cur_xyz, known_t)


def _sc_gather(x_0, idx_flat, num_rows):
    info = plsc.get_sparse_core_info()
    nw = info.num_cores * info.num_subcores
    b_per_w = num_rows // nw
    mesh = plsc.VectorSubcoreMesh(core_axis_name="c", subcore_axis_name="s")

    @functools.partial(
        pl.kernel,
        mesh=mesh,
        out_type=jax.ShapeDtypeStruct((num_rows, C), jnp.float32),
        scratch_types=[
            pltpu.VMEM((b_per_w,), jnp.int32),
            pltpu.VMEM((b_per_w, C), jnp.float32),
            pltpu.SemaphoreType.DMA,
        ],
    )
    def k(table_hbm, idx_hbm, out_hbm, idx_v, rows_v, sem):
        wid = lax.axis_index("s") * info.num_cores + lax.axis_index("c")
        base = wid * b_per_w
        pltpu.sync_copy(idx_hbm.at[pl.ds(base, b_per_w)], idx_v)
        pltpu.async_copy(table_hbm.at[idx_v], rows_v, sem).wait()
        pltpu.sync_copy(rows_v, out_hbm.at[pl.ds(base, b_per_w)])

    return k(x_0, idx_flat)


COMB_BLK = 2048


def _combine_kernel(g_ref, w_ref, x1_ref, out_ref):
    g = g_ref[...]
    w = w_ref[...]
    acc = g[:, 0:C] * w[:, 0:1]
    acc = acc + g[:, C : 2 * C] * w[:, 1:2]
    acc = acc + g[:, 2 * C : 3 * C] * w[:, 2:3]
    out_ref[:, 0:C] = acc
    out_ref[:, C:] = x1_ref[...]


def _stage3(gathered, w, x_1, nrows):
    grid = (nrows // COMB_BLK,)
    return pl.pallas_call(
        _combine_kernel,
        grid=grid,
        in_specs=[
            pl.BlockSpec((COMB_BLK, K * C), lambda i: (i, 0)),
            pl.BlockSpec((COMB_BLK, K), lambda i: (i, 0)),
            pl.BlockSpec((COMB_BLK, C), lambda i: (i, 0)),
        ],
        out_specs=pl.BlockSpec((COMB_BLK, 2 * C), lambda i: (i, 0)),
        out_shape=jax.ShapeDtypeStruct((nrows, 2 * C), jnp.float32),
    )(gathered, w, x_1)


def kernel(x_0, x_1, cur_xyz, cur_xyz_batch_cnt, grid_points_r1, grid_points_r2, batch_size):
    known_t = grid_points_r1.transpose(0, 2, 1)
    idx, w = _stage1(cur_xyz, known_t, B, 0)
    num_rows = B * N_PER * K
    gathered = _sc_gather(x_0, idx.reshape(-1), num_rows)
    g = gathered.reshape(B * N_PER, K * C)
    return _stage3(g, w.reshape(B * N_PER, K), x_1, B * N_PER)

# --- scband reference (transcript-rebuilt; emitter-appended) ---
"""Pipeline reference for scband-fpn-combine-64295660421506 (READ-ONLY COPY).

The authoritative reference and input builder live on the scoring server;
editing this copy changes nothing except your own understanding.
"""

import jax, jax.numpy as jnp
import numpy as np

B = 4
N_PER = 2048
M_PER = 8192
C = 128


def setup_inputs(seed: int = 0) -> dict:
    key = jax.random.key(seed)
    ks = jax.random.split(key, 6)
    x_0 = jax.random.normal(ks[0], (B * M_PER, C), dtype=jnp.float32)
    x_1 = jax.random.normal(ks[1], (B * N_PER, C), dtype=jnp.float32)
    cur_xyz = jax.random.normal(ks[2], (B, N_PER, 3), dtype=jnp.float32)
    cur_xyz_batch_cnt = jnp.full((B,), N_PER, dtype=jnp.int32)
    grid_points_r1 = jax.random.normal(ks[3], (B, M_PER, 3), dtype=jnp.float32)
    grid_points_r2 = jax.random.normal(ks[4], (B, N_PER, 3), dtype=jnp.float32)
    return {
        "x_0": x_0,
        "x_1": x_1,
        "cur_xyz": cur_xyz,
        "cur_xyz_batch_cnt": cur_xyz_batch_cnt,
        "grid_points_r1": grid_points_r1,
        "grid_points_r2": grid_points_r2,
        "batch_size": B,
    }


def _three_nn_interpolate(new_xyz_b, known_b, features):
    # new_xyz_b: (B, N, 3); known_b: (B, M, 3); features: (B*M, C) stacked
    # pointnet2_stack.three_nn: per-batch 3 nearest neighbors, returns euclidean dist
    diff = new_xyz_b[:, :, None, :] - known_b[:, None, :, :]
    d2 = jnp.sum(diff * diff, axis=-1)  # (B, N, M)
    dist_all = jnp.sqrt(d2)
    neg_top, idx = jax.lax.top_k(-dist_all, 3)  # 3 smallest distances
    dist = -neg_top  # (B, N, 3)
    dist_recip = 1.0 / (dist + 1e-08)
    norm = jnp.sum(dist_recip, axis=-1, keepdims=True)
    weight = dist_recip / norm  # (B, N, 3)
    nb = known_b.shape[0]
    m = known_b.shape[1]
    offsets = (jnp.arange(nb, dtype=idx.dtype) * m)[:, None, None]
    gidx = idx + offsets  # global indices into stacked features
    gathered = jnp.take(features, gidx, axis=0)  # (B, N, 3, C)
    interp = jnp.sum(gathered * weight[..., None], axis=2)  # (B, N, C)
    return interp.reshape(-1, features.shape[1])


def reference(x_0, x_1, cur_xyz, cur_xyz_batch_cnt, grid_points_r1, grid_points_r2, batch_size):
    # offset 0: reduction_ratio != 1 -> Interpolate3NN resample
    node0 = _three_nn_interpolate(cur_xyz, grid_points_r1, x_0)
    # offset 1: reduction_ratio == 1 -> identity passthrough
    node1 = x_1
    # weight_method == 'concat'
    out = jnp.concatenate([node0, node1], axis=1)
    return out

if __name__ == "__main__":
    import jax
    _d = setup_inputs()
    print(jax.jit(kernel)(*tuple(_d.values())))

</pallas_src>

<mosaic_0001>
#map = affine_map<(d0, d1) -> (0, 0)>
#map1 = affine_map<(d0, d1) -> (0)>
module attributes {stable_mosaic.version = 14 : i64} {
  func.func @k(%arg0: i32, %arg1: i32, %arg2: memref<32768x128xf32, #tpu.memory_space<hbm>>, %arg3: memref<24576xi32, #tpu.memory_space<hbm>>, %arg4: memref<24576x128xf32, #tpu.memory_space<hbm>>, %arg5: memref<768xi32, #tpu.memory_space<vmem>>, %arg6: memref<768x128xf32, #tpu.memory_space<vmem>>, %arg7: memref<!tpu.dma_semaphore, #tpu.memory_space<semaphore_mem>>) attributes {dimension_semantics = [#tpu.dimension_semantics<core_parallel>, #tpu.dimension_semantics<subcore_parallel>], iteration_bounds = array<i64: 2, 16>, scalar_prefetch = 0 : i64, scratch_operands = 3 : i64, tpu.core_type = #tpu.core_type<sc_vector_subcore>, window_params = [{transform_indices = #map}, {transform_indices = #map1}, {transform_indices = #map}]} {
    %mul3A = arith.constant 2 : i32
    %mul3A_0 = arith.muli %arg1, %mul3A : i32
    %add3A = arith.addi %mul3A_0, %arg0 : i32
    %mul3A_1 = arith.constant 768 : i32
    %mul3A_2 = arith.muli %add3A, %mul3A_1 : i32
    "tpu.region"() ({
      %run_scoped3A = tpu.sem_alloc : memref<!tpu.dma_semaphore, #tpu.memory_space<semaphore_mem>>
      %dma_start3A_7 = tpu.memref_slice %arg3[%mul3A_2] : memref<24576xi32, #tpu.memory_space<hbm>> -> memref<768xi32, #tpu.memory_space<hbm>>
      %dma_start3A_8 = tpu.memref_slice %arg3[%mul3A_2] : memref<24576xi32, #tpu.memory_space<hbm>> -> memref<768xi32, #tpu.memory_space<hbm>>
      tpu.enqueue_dma source(%dma_start3A_8 : memref<768xi32, #tpu.memory_space<hbm>>) target(%arg5 : memref<768xi32, #tpu.memory_space<vmem>>) target_semaphore(%run_scoped3A : memref<!tpu.dma_semaphore, #tpu.memory_space<semaphore_mem>>)
      %dma_wait3A_9 = tpu.memref_slice %arg3[%mul3A_2] : memref<24576xi32, #tpu.memory_space<hbm>> -> memref<768xi32, #tpu.memory_space<hbm>>
      %dma_wait3A_10 = tpu.memref_slice %arg3[%mul3A_2] : memref<24576xi32, #tpu.memory_space<hbm>> -> memref<768xi32, #tpu.memory_space<hbm>>
      tpu.wait_dma2 semaphore(%run_scoped3A : memref<!tpu.dma_semaphore, #tpu.memory_space<semaphore_mem>>) src(%dma_wait3A_10 : memref<768xi32, #tpu.memory_space<hbm>>) dst(%arg5 : memref<768xi32, #tpu.memory_space<vmem>>)
      tpu.yield
    }) : () -> ()
    %dma_start3A = arith.constant 0 : i32
    %dma_start3A_3 = arith.constant 0 : i32
    %dma_start3A_4 = tpu.memref_slice %arg2[%dma_start3A, %dma_start3A_3] : memref<32768x128xf32, #tpu.memory_space<hbm>> -> memref<32768x128xf32, #tpu.memory_space<hbm>>
    tpu.enqueue_indirect_dma source(%dma_start3A_4 : memref<32768x128xf32, #tpu.memory_space<hbm>>) target(%arg6 : memref<768x128xf32, #tpu.memory_space<vmem>>) offsets(%arg5 : memref<768xi32, #tpu.memory_space<vmem>>) semaphore(%arg7 : memref<!tpu.dma_semaphore, #tpu.memory_space<semaphore_mem>>)
    %dma_wait3A = arith.constant 0 : i32
    %dma_wait3A_5 = arith.constant 0 : i32
    %dma_wait3A_6 = tpu.memref_slice %arg2[%dma_wait3A, %dma_wait3A_5] : memref<32768x128xf32, #tpu.memory_space<hbm>> -> memref<32768x128xf32, #tpu.memory_space<hbm>>
    tpu.wait_indirect_dma semaphore(%arg7 : memref<!tpu.dma_semaphore, #tpu.memory_space<semaphore_mem>>) src(%dma_wait3A_6 : memref<32768x128xf32, #tpu.memory_space<hbm>>) dst(%arg6 : memref<768x128xf32, #tpu.memory_space<vmem>>)
    "tpu.region"() ({
      %run_scoped3A = tpu.sem_alloc : memref<!tpu.dma_semaphore, #tpu.memory_space<semaphore_mem>>
      %dma_start3A_7 = arith.constant 0 : i32
      %dma_start3A_8 = tpu.memref_slice %arg4[%mul3A_2, %dma_start3A_7] : memref<24576x128xf32, #tpu.memory_space<hbm>> -> memref<768x128xf32, #tpu.memory_space<hbm>>
      %dma_start3A_9 = arith.constant 0 : i32
      %dma_start3A_10 = tpu.memref_slice %arg4[%mul3A_2, %dma_start3A_9] : memref<24576x128xf32, #tpu.memory_space<hbm>> -> memref<768x128xf32, #tpu.memory_space<hbm>>
      tpu.enqueue_dma source(%arg6 : memref<768x128xf32, #tpu.memory_space<vmem>>) target(%dma_start3A_10 : memref<768x128xf32, #tpu.memory_space<hbm>>) target_semaphore(%run_scoped3A : memref<!tpu.dma_semaphore, #tpu.memory_space<semaphore_mem>>)
      %dma_wait3A_11 = arith.constant 0 : i32
      %dma_wait3A_12 = tpu.memref_slice %arg4[%mul3A_2, %dma_wait3A_11] : memref<24576x128xf32, #tpu.memory_space<hbm>> -> memref<768x128xf32, #tpu.memory_space<hbm>>
      %dma_wait3A_13 = arith.constant 0 : i32
      %dma_wait3A_14 = tpu.memref_slice %arg4[%mul3A_2, %dma_wait3A_13] : memref<24576x128xf32, #tpu.memory_space<hbm>> -> memref<768x128xf32, #tpu.memory_space<hbm>>
      tpu.wait_dma2 semaphore(%run_scoped3A : memref<!tpu.dma_semaphore, #tpu.memory_space<semaphore_mem>>) src(%arg6 : memref<768x128xf32, #tpu.memory_space<vmem>>) dst(%dma_wait3A_14 : memref<768x128xf32, #tpu.memory_space<hbm>>)
      tpu.yield
    }) : () -> ()
    return
  }
}

module attributes {stable_mosaic.version = 14 : i64} {
  func.func @_top3_kernel(%arg0: i32, %arg1: i32, %arg2: memref<1x512x3xf32, #tpu.memory_space<vmem>>, %arg3: memref<1x3x8192xf32, #tpu.memory_space<vmem>>, %arg4: memref<1x512x3xi32, #tpu.memory_space<vmem>>, %arg5: memref<1x512x3xf32, #tpu.memory_space<vmem>>) attributes {dimension_semantics = [#tpu.dimension_semantics<arbitrary>, #tpu.dimension_semantics<arbitrary>], iteration_bounds = array<i64: 4, 4>, scalar_prefetch = 0 : i64, scratch_operands = 0 : i64, tpu.core_type = #tpu.core_type<tc>, window_params = [{transform_indices = @transform_0, window_bounds = array<i64: 1, 512, 3>}, {transform_indices = @transform_1, window_bounds = array<i64: 1, 3, 8192>}, {transform_indices = @transform_2, window_bounds = array<i64: 1, 512, 3>}, {transform_indices = @transform_3, window_bounds = array<i64: 1, 512, 3>}]} {
    %get3A = arith.constant 0 : index
    %get3A_0 = arith.constant 0 : index
    %get3A_1 = arith.constant 0 : index
    %get3A_2 = vector.load %arg2[%get3A, %get3A_0, %get3A_1] : memref<1x512x3xf32, #tpu.memory_space<vmem>>, vector<1x512x3xf32>
    %get3A_3 = vector.shape_cast %get3A_2 : vector<1x512x3xf32> to vector<512x3xf32>
    %get3A_4 = arith.constant 0 : index
    %get3A_5 = arith.constant 0 : index
    %get3A_6 = arith.constant 0 : index
    %get3A_7 = vector.load %arg3[%get3A_4, %get3A_5, %get3A_6] : memref<1x3x8192xf32, #tpu.memory_space<vmem>>, vector<1x3x8192xf32>
    %get3A_8 = vector.shape_cast %get3A_7 : vector<1x3x8192xf32> to vector<3x8192xf32>
    %broadcast_in_dim3A = arith.constant 0.000000e+00 : f32
    %broadcast_in_dim3A_9 = vector.broadcast %broadcast_in_dim3A : f32 to vector<512x8192xf32>
    %slice3A = vector.extract_strided_slice %get3A_3 {offsets = [0, 0], sizes = [512, 1], strides = [1, 1]} : vector<512x3xf32> to vector<512x1xf32>
    %slice3A_10 = vector.extract_strided_slice %get3A_8 {offsets = [0, 0], sizes = [1, 8192], strides = [1, 1]} : vector<3x8192xf32> to vector<1x8192xf32>
    %sub3A = vector.broadcast %slice3A : vector<512x1xf32> to vector<512x8192xf32>
    %sub3A_11 = vector.broadcast %slice3A_10 : vector<1x8192xf32> to vector<512x8192xf32>
    %sub3A_12 = arith.subf %sub3A, %sub3A_11 : vector<512x8192xf32>
    %mul3A = arith.mulf %sub3A_12, %sub3A_12 : vector<512x8192xf32>
    %add3A = arith.addf %broadcast_in_dim3A_9, %mul3A : vector<512x8192xf32>
    %slice3A_13 = vector.extract_strided_slice %get3A_3 {offsets = [0, 1], sizes = [512, 1], strides = [1, 1]} : vector<512x3xf32> to vector<512x1xf32>
    %slice3A_14 = vector.extract_strided_slice %get3A_8 {offsets = [1, 0], sizes = [1, 8192], strides = [1, 1]} : vector<3x8192xf32> to vector<1x8192xf32>
    %sub3A_15 = vector.broadcast %slice3A_13 : vector<512x1xf32> to vector<512x8192xf32>
    %sub3A_16 = vector.broadcast %slice3A_14 : vector<1x8192xf32> to vector<512x8192xf32>
    %sub3A_17 = arith.subf %sub3A_15, %sub3A_16 : vector<512x8192xf32>
    %mul3A_18 = arith.mulf %sub3A_17, %sub3A_17 : vector<512x8192xf32>
    %add3A_19 = arith.addf %add3A, %mul3A_18 : vector<512x8192xf32>
    %slice3A_20 = vector.extract_strided_slice %get3A_3 {offsets = [0, 2], sizes = [512, 1], strides = [1, 1]} : vector<512x3xf32> to vector<512x1xf32>
    %slice3A_21 = vector.extract_strided_slice %get3A_8 {offsets = [2, 0], sizes = [1, 8192], strides = [1, 1]} : vector<3x8192xf32> to vector<1x8192xf32>
    %sub3A_22 = vector.broadcast %slice3A_20 : vector<512x1xf32> to vector<512x8192xf32>
    %sub3A_23 = vector.broadcast %slice3A_21 : vector<1x8192xf32> to vector<512x8192xf32>
    %sub3A_24 = arith.subf %sub3A_22, %sub3A_23 : vector<512x8192xf32>
    %mul3A_25 = arith.mulf %sub3A_24, %sub3A_24 : vector<512x8192xf32>
    %add3A_26 = arith.addf %add3A_19, %mul3A_25 : vector<512x8192xf32>
    %iota3A = tpu.iota {dimensions = array<i32: 1>} : vector<1x8192xi32>
    %convert_element_type3A = arith.sitofp %iota3A : vector<1x8192xi32> to vector<1x8192xf32>
    %reduce_min3A = arith.constant dense<0x7F800000> : vector<512xf32>
    %reduce_min3A_27 = vector.multi_reduction <minimumf>, %add3A_26, %reduce_min3A [1] : vector<512x8192xf32> to vector<512xf32>
    %broadcast_in_dim3A_28 = vector.shape_cast %reduce_min3A_27 : vector<512xf32> to vector<512x1xf32>
    %le3A = vector.broadcast %broadcast_in_dim3A_28 : vector<512x1xf32> to vector<512x8192xf32>
    %le3A_29 = arith.cmpf ole, %add3A_26, %le3A : vector<512x8192xf32>
    %jit3A = arith.constant 8.192000e+03 : f32
    %broadcast_in_dim3A_30 = vector.shape_cast %convert_element_type3A : vector<1x8192xf32> to vector<1x8192xf32>
    %broadcast_in_dim3A_31 = vector.broadcast %broadcast_in_dim3A_30 : vector<1x8192xf32> to vector<512x8192xf32>
    %broadcast_in_dim3A_32 = vector.broadcast %jit3A : f32 to vector<512x8192xf32>
    %select_n3A = arith.select %le3A_29, %broadcast_in_dim3A_31, %broadcast_in_dim3A_32 : vector<512x8192xi1>, vector<512x8192xf32>
    %reduce_min3A_33 = arith.constant dense<0x7F800000> : vector<512xf32>
    %reduce_min3A_34 = vector.multi_reduction <minimumf>, %select_n3A, %reduce_min3A_33 [1] : vector<512x8192xf32> to vector<512xf32>
    %broadcast_in_dim3A_35 = vector.shape_cast %reduce_min3A_34 : vector<512xf32> to vector<512x1xf32>
    %convert_element_type3A_36 = arith.fptosi %broadcast_in_dim3A_35 : vector<512x1xf32> to vector<512x1xi32>
    %eq3A = vector.broadcast %convert_element_type3A : vector<1x8192xf32> to vector<512x8192xf32>
    %eq3A_37 = vector.broadcast %broadcast_in_dim3A_35 : vector<512x1xf32> to vector<512x8192xf32>
    %eq3A_38 = arith.cmpf oeq, %eq3A, %eq3A_37 : vector<512x8192xf32>
    %jit3A_39 = arith.constant 0x7F800000 : f32
    %broadcast_in_dim3A_40 = vector.broadcast %jit3A_39 : f32 to vector<512x8192xf32>
    %select_n3A_41 = arith.select %eq3A_38, %broadcast_in_dim3A_40, %add3A_26 : vector<512x8192xi1>, vector<512x8192xf32>
    %reduce_min3A_42 = arith.constant dense<0x7F800000> : vector<512xf32>
    %reduce_min3A_43 = vector.multi_reduction <minimumf>, %select_n3A_41, %reduce_min3A_42 [1] : vector<512x8192xf32> to vector<512xf32>
    %broadcast_in_dim3A_44 = vector.shape_cast %reduce_min3A_43 : vector<512xf32> to vector<512x1xf32>
    %le3A_45 = vector.broadcast %broadcast_in_dim3A_44 : vector<512x1xf32> to vector<512x8192xf32>
    %le3A_46 = arith.cmpf ole, %select_n3A_41, %le3A_45 : vector<512x8192xf32>
    %jit3A_47 = arith.constant 8.192000e+03 : f32
    %broadcast_in_dim3A_48 = vector.shape_cast %convert_element_type3A : vector<1x8192xf32> to vector<1x8192xf32>
    %broadcast_in_dim3A_49 = vector.broadcast %broadcast_in_dim3A_48 : vector<1x8192xf32> to vector<512x8192xf32>
    %broadcast_in_dim3A_50 = vector.broadcast %jit3A_47 : f32 to vector<512x8192xf32>
    %select_n3A_51 = arith.select %le3A_46, %broadcast_in_dim3A_49, %broadcast_in_dim3A_50 : vector<512x8192xi1>, vector<512x8192xf32>
    %reduce_min3A_52 = arith.constant dense<0x7F800000> : vector<512xf32>
    %reduce_min3A_53 = vector.multi_reduction <minimumf>, %select_n3A_51, %reduce_min3A_52 [1] : vector<512x8192xf32> to vector<512xf32>
    %broadcast_in_dim3A_54 = vector.shape_cast %reduce_min3A_53 : vector<512xf32> to vector<512x1xf32>
    %convert_element_type3A_55 = arith.fptosi %broadcast_in_dim3A_54 : vector<512x1xf32> to vector<512x1xi32>
    %eq3A_56 = vector.broadcast %convert_element_type3A : vector<1x8192xf32> to vector<512x8192xf32>
    %eq3A_57 = vector.broadcast %broadcast_in_dim3A_54 : vector<512x1xf32> to vector<512x8192xf32>
    %eq3A_58 = arith.cmpf oeq, %eq3A_56, %eq3A_57 : vector<512x8192xf32>
    %jit3A_59 = arith.constant 0x7F800000 : f32
    %broadcast_in_dim3A_60 = vector.broadcast %jit3A_59 : f32 to vector<512x8192xf32>
    %select_n3A_61 = arith.select %eq3A_58, %broadcast_in_dim3A_60, %select_n3A_41 : vector<512x8192xi1>, vector<512x8192xf32>
    %reduce_min3A_62 = arith.constant dense<0x7F800000> : vector<512xf32>
    %reduce_min3A_63 = vector.multi_reduction <minimumf>, %select_n3A_61, %reduce_min3A_62 [1] : vector<512x8192xf32> to vector<512xf32>
    %broadcast_in_dim3A_64 = vector.shape_cast %reduce_min3A_63 : vector<512xf32> to vector<512x1xf32>
    %le3A_65 = vector.broadcast %broadcast_in_dim3A_64 : vector<512x1xf32> to vector<512x8192xf32>
    %le3A_66 = arith.cmpf ole, %select_n3A_61, %le3A_65 : vector<512x8192xf32>
    %jit3A_67 = arith.constant 8.192000e+03 : f32
    %broadcast_in_dim3A_68 = vector.shape_cast %convert_element_type3A : vector<1x8192xf32> to vector<1x8192xf32>
    %broadcast_in_dim3A_69 = vector.broadcast %broadcast_in_dim3A_68 : vector<1x8192xf32> to vector<512x8192xf32>
    %broadcast_in_dim3A_70 = vector.broadcast %jit3A_67 : f32 to vector<512x8192xf32>
    %select_n3A_71 = arith.select %le3A_66, %broadcast_in_dim3A_69, %broadcast_in_dim3A_70 : vector<512x8192xi1>, vector<512x8192xf32>
    %reduce_min3A_72 = arith.constant dense<0x7F800000> : vector<512xf32>
    %reduce_min3A_73 = vector.multi_reduction <minimumf>, %select_n3A_71, %reduce_min3A_72 [1] : vector<512x8192xf32> to vector<512xf32>
    %broadcast_in_dim3A_74 = vector.shape_cast %reduce_min3A_73 : vector<512xf32> to vector<512x1xf32>
    %convert_element_type3A_75 = arith.fptosi %broadcast_in_dim3A_74 : vector<512x1xf32> to vector<512x1xi32>
    %concatenate3A = tpu.concatenate %broadcast_in_dim3A_28, %broadcast_in_dim3A_44, %broadcast_in_dim3A_64 in 1 : vector<512x1xf32>, vector<512x1xf32>, vector<512x1xf32> -> vector<512x3xf32>
    %sqrt3A = math.sqrt %concatenate3A : vector<512x3xf32>
    %add3A_76 = arith.constant 9.99999993E-9 : f32
    %add3A_77 = vector.broadcast %add3A_76 : f32 to vector<512x3xf32>
    %add3A_78 = arith.addf %sqrt3A, %add3A_77 : vector<512x3xf32>
    %div3A = arith.constant 1.000000e+00 : f32
    %div3A_79 = vector.broadcast %div3A : f32 to vector<512x3xf32>
    %div3A_80 = arith.divf %div3A_79, %add3A_78 : vector<512x3xf32>
    %reduce_sum3A = arith.constant dense<0.000000e+00> : vector<512xf32>
    %reduce_sum3A_81 = vector.multi_reduction <add>, %div3A_80, %reduce_sum3A [1] : vector<512x3xf32> to vector<512xf32>
    %broadcast_in_dim3A_82 = vector.shape_cast %reduce_sum3A_81 : vector<512xf32> to vector<512x1xf32>
    %div3A_83 = vector.broadcast %broadcast_in_dim3A_82 : vector<512x1xf32> to vector<512x3xf32>
    %div3A_84 = arith.divf %div3A_80, %div3A_83 : vector<512x3xf32>
    %concatenate3A_85 = tpu.concatenate %convert_element_type3A_36, %convert_element_type3A_55, %convert_element_type3A_75 in 1 : vector<512x1xi32>, vector<512x1xi32>, vector<512x1xi32> -> vector<512x3xi32>
    %add3A_86 = arith.constant 0 : i32
    %add3A_87 = arith.addi %arg0, %add3A_86 : i32
    %mul3A_88 = arith.constant 8192 : i32
    %mul3A_89 = arith.muli %add3A_87, %mul3A_88 : i32
    %add3A_90 = vector.broadcast %mul3A_89 : i32 to vector<512x3xi32>
    %add3A_91 = arith.addi %concatenate3A_85, %add3A_90 : vector<512x3xi32>
    %swap3A = arith.constant 0 : index
    %swap3A_92 = arith.constant 0 : index
    %swap3A_93 = arith.constant 0 : index
    %swap3A_94 = vector.load %arg4[%swap3A, %swap3A_92, %swap3A_93] : memref<1x512x3xi32, #tpu.memory_space<vmem>>, vector<1x512x3xi32>
    %swap3A_95 = vector.shape_cast %swap3A_94 : vector<1x512x3xi32> to vector<512x3xi32>
    %swap3A_96 = vector.shape_cast %add3A_91 : vector<512x3xi32> to vector<1x512x3xi32>
    tpu.vector_store %arg4[%swap3A, %swap3A_92, %swap3A_93], %swap3A_96 {strides = array<i32>} : memref<1x512x3xi32, #tpu.memory_space<vmem>>, vector<1x512x3xi32>,
    %swap3A_97 = arith.constant 0 : index
    %swap3A_98 = arith.constant 0 : index
    %swap3A_99 = arith.constant 0 : index
    %swap3A_100 = vector.load %arg5[%swap3A_97, %swap3A_98, %swap3A_99] : memref<1x512x3xf32, #tpu.memory_space<vmem>>, vector<1x512x3xf32>
    %swap3A_101 = vector.shape_cast %swap3A_100 : vector<1x512x3xf32> to vector<512x3xf32>
    %swap3A_102 = vector.shape_cast %div3A_84 : vector<512x3xf32> to vector<1x512x3xf32>
    tpu.vector_store %arg5[%swap3A_97, %swap3A_98, %swap3A_99], %swap3A_102 {strides = array<i32>} : memref<1x512x3xf32, #tpu.memory_space<vmem>>, vector<1x512x3xf32>,
    return
  }
  func.func @transform_0(%arg0: i32, %arg1: i32) -> (i32, i32, i32) {
    %c0_i32 = arith.constant 0 : i32
    %c0_i32_0 = arith.constant 0 : i32
    return %arg0, %arg1, %c0_i32 : i32, i32, i32
  }
  func.func @transform_1(%arg0: i32, %arg1: i32) -> (i32, i32, i32) {
    %c0_i32 = arith.constant 0 : i32
    %c0_i32_0 = arith.constant 0 : i32
    %c0_i32_1 = arith.constant 0 : i32
    return %arg0, %c0_i32, %c0_i32_0 : i32, i32, i32
  }
  func.func @transform_2(%arg0: i32, %arg1: i32) -> (i32, i32, i32) {
    %c0_i32 = arith.constant 0 : i32
    %c0_i32_0 = arith.constant 0 : i32
    return %arg0, %arg1, %c0_i32 : i32, i32, i32
  }
  func.func @transform_3(%arg0: i32, %arg1: i32) -> (i32, i32, i32) {
    %c0_i32 = arith.constant 0 : i32
    %c0_i32_0 = arith.constant 0 : i32
    return %arg0, %arg1, %c0_i32 : i32, i32, i32
  }
}

module attributes {stable_mosaic.version = 14 : i64} {
  func.func @_combine_kernel(%arg0: i32, %arg1: memref<2048x384xf32, #tpu.memory_space<vmem>>, %arg2: memref<2048x3xf32, #tpu.memory_space<vmem>>, %arg3: memref<2048x128xf32, #tpu.memory_space<vmem>>, %arg4: memref<2048x256xf32, #tpu.memory_space<vmem>>) attributes {dimension_semantics = [#tpu.dimension_semantics<arbitrary>], iteration_bounds = array<i64: 4>, scalar_prefetch = 0 : i64, scratch_operands = 0 : i64, tpu.core_type = #tpu.core_type<tc>, window_params = [{transform_indices = @transform_0, window_bounds = array<i64: 2048, 384>}, {transform_indices = @transform_1, window_bounds = array<i64: 2048, 3>}, {transform_indices = @transform_2, window_bounds = array<i64: 2048, 128>}, {transform_indices = @transform_3, window_bounds = array<i64: 2048, 256>}]} {
    %get3A = arith.constant 0 : index
    %get3A_0 = arith.constant 0 : index
    %get3A_1 = vector.load %arg1[%get3A, %get3A_0] : memref<2048x384xf32, #tpu.memory_space<vmem>>, vector<2048x384xf32>
    %get3A_2 = arith.constant 0 : index
    %get3A_3 = arith.constant 0 : index
    %get3A_4 = vector.load %arg2[%get3A_2, %get3A_3] : memref<2048x3xf32, #tpu.memory_space<vmem>>, vector<2048x3xf32>
    %slice3A = vector.extract_strided_slice %get3A_1 {offsets = [0, 0], sizes = [2048, 128], strides = [1, 1]} : vector<2048x384xf32> to vector<2048x128xf32>
    %slice3A_5 = vector.extract_strided_slice %get3A_4 {offsets = [0, 0], sizes = [2048, 1], strides = [1, 1]} : vector<2048x3xf32> to vector<2048x1xf32>
    %mul3A = vector.broadcast %slice3A_5 : vector<2048x1xf32> to vector<2048x128xf32>
    %mul3A_6 = arith.mulf %slice3A, %mul3A : vector<2048x128xf32>
    %slice3A_7 = vector.extract_strided_slice %get3A_1 {offsets = [0, 128], sizes = [2048, 128], strides = [1, 1]} : vector<2048x384xf32> to vector<2048x128xf32>
    %slice3A_8 = vector.extract_strided_slice %get3A_4 {offsets = [0, 1], sizes = [2048, 1], strides = [1, 1]} : vector<2048x3xf32> to vector<2048x1xf32>
    %mul3A_9 = vector.broadcast %slice3A_8 : vector<2048x1xf32> to vector<2048x128xf32>
    %mul3A_10 = arith.mulf %slice3A_7, %mul3A_9 : vector<2048x128xf32>
    %add3A = arith.addf %mul3A_6, %mul3A_10 : vector<2048x128xf32>
    %slice3A_11 = vector.extract_strided_slice %get3A_1 {offsets = [0, 256], sizes = [2048, 128], strides = [1, 1]} : vector<2048x384xf32> to vector<2048x128xf32>
    %slice3A_12 = vector.extract_strided_slice %get3A_4 {offsets = [0, 2], sizes = [2048, 1], strides = [1, 1]} : vector<2048x3xf32> to vector<2048x1xf32>
    %mul3A_13 = vector.broadcast %slice3A_12 : vector<2048x1xf32> to vector<2048x128xf32>
    %mul3A_14 = arith.mulf %slice3A_11, %mul3A_13 : vector<2048x128xf32>
    %add3A_15 = arith.addf %add3A, %mul3A_14 : vector<2048x128xf32>
    %swap3A = arith.constant 0 : index
    %swap3A_16 = arith.constant 0 : index
    %swap3A_17 = vector.load %arg4[%swap3A, %swap3A_16] : memref<2048x256xf32, #tpu.memory_space<vmem>>, vector<2048x128xf32>
    tpu.vector_store %arg4[%swap3A, %swap3A_16], %add3A_15 {strides = array<i32>} : memref<2048x256xf32, #tpu.memory_space<vmem>>, vector<2048x128xf32>,
    %get3A_18 = arith.constant 0 : index
    %get3A_19 = arith.constant 0 : index
    %get3A_20 = vector.load %arg3[%get3A_18, %get3A_19] : memref<2048x128xf32, #tpu.memory_space<vmem>>, vector<2048x128xf32>
    %swap3A_21 = arith.constant 0 : index
    %swap3A_22 = arith.constant 128 : index
    %swap3A_23 = vector.load %arg4[%swap3A_21, %swap3A_22] : memref<2048x256xf32, #tpu.memory_space<vmem>>, vector<2048x128xf32>
    tpu.vector_store %arg4[%swap3A_21, %swap3A_22], %get3A_20 {strides = array<i32>} : memref<2048x256xf32, #tpu.memory_space<vmem>>, vector<2048x128xf32>,
    return
  }
  func.func @transform_0(%arg0: i32) -> (i32, i32) {
    %c0_i32 = arith.constant 0 : i32
    %c0_i32_0 = arith.constant 0 : i32
    return %arg0, %c0_i32 : i32, i32
  }
  func.func @transform_1(%arg0: i32) -> (i32, i32) {
    %c0_i32 = arith.constant 0 : i32
    %c0_i32_0 = arith.constant 0 : i32
    return %arg0, %c0_i32 : i32, i32
  }
  func.func @transform_2(%arg0: i32) -> (i32, i32) {
    %c0_i32 = arith.constant 0 : i32
    %c0_i32_0 = arith.constant 0 : i32
    return %arg0, %c0_i32 : i32, i32
  }
  func.func @transform_3(%arg0: i32) -> (i32, i32) {
    %c0_i32 = arith.constant 0 : i32
    %c0_i32_0 = arith.constant 0 : i32
    return %arg0, %c0_i32 : i32, i32
  }
}

</mosaic_0001>

<sc_bundles>
// kernel: kernel.5.cloned.1.call-start
scs
__scs_entry_jumppad:
0x0: {  	(pc) =	sbr.rel $0x88, $3  }
0x1: {  	(tag) =	ssettag $0x0;
	lr =	simm.s32 $0x1  }
0x2: {  	[smem:$0x3F9D] =	sst lr;
	_ =	strace $0xD0000000  }
0x3: {  	_ = 	snop  }
0x4: {  	_ = 	snop  }
0x5: {  	_ = 	snop  }
0x6: {  	_ = 	snop  }
0x7: {  	_ = 	snop  }
__scs_overlays_trampoline_lowered:
0x8: {  	[smem:$0x3FAC] =	sst s0  }
0x9: {  	[smem:$0x3FAD] =	sst s1  }
0xa: {  	[smem:$0x3FAE] =	sst s2  }
0xb: {  	[smem:$0x3FAF] =	sst s3  }
0xc: {  	[smem:$0x3FB0] =	sst s4  }
0xd: {  	[smem:$0x3FB1] =	sst s5  }
0xe: {  	[smem:$0x3FB2] =	sst s6  }
0xf: {  	[smem:$0x3FB3] =	sst s7  }
0x10: {  	[smem:$0x3FB4] =	sst s8  }
0x11: {  	[smem:$0x3FB5] =	sst s9;
	s0 =	simm.s32 @!p0 $0x0  }
0x12: {  	s1 =	sld [smem:$0x3F9B];
	s0 =	simm.s32 @p0 $0x1  }
0x13: {  	[smem:$0x3FB6] =	sst s0;
	s0 =	simm.s32 @!p1 $0x0  }
0x14: {  	s2 =	sld [smem:$0x3F9A];
	s0 =	simm.s32 @p1 $0x1  }
0x15: {  	[smem:$0x3FB7] =	sst s0;
	s0 =	simm.s32 @!p2 $0x0  }
0x16: {  	s3 =	sld [smem:$0x3FDB];
	s0 =	simm.s32 @p2 $0x1  }
0x17: {  	s4 =	simm.s32 $0x1BF5;
	[smem:$0x3FB9] =	sst s0  }
0x18: {  	s0 =	sld [smem:$0x3F9C];
	_ =	swait.ge [sflag:s4], $0x0  }
0x19: {  	s7 =	sld [smem:$0x3F9D]  }
0x1a: {  	s8 =	sadd.s32 $0xFFFFE003, lr  }
0x1b: {  	s9 =	sadd.s32 $0xFFFFFEF7, lr;
	s5 =	simm.s32 $0xFFFFFFFF;
	p2 =	slt.u32 s8, $0xFFFFF086  }
0x1c: {  	p1 =	slt.u32 s9, $0xF7A;
	s5 =	simm.s32 @!p2 $0x0  }
0x1d: {  	s5 =	simm.s32 @p1 $0x1;
	p0 =	seq.s32 s7, s2  }
0x1e: {  	s7 =	smul.u32 @!p0 $0xF7A, s2;
	p2 =	seq.s32 @!p0 s5, $0x0  }
0x1f: {  	s9 =	smul.u32 $0xF7A, s1;
	s8 =	simm.s32 @!p0 $0x1BF5;
	p2 =	por !p2, p0  }
0x20: {  	[sflag:s8] =	ssyncset.s32 @!p0 $0xFFFFF086;
	s6 =	sadd.s32 @!p0 s3, s7;
	s7 =	simm.s32 @!p0 $0x108  }
0x21: {  	s3 =	sadd.s32 s3, s9;
	s6 =	sadd.s32 @!p0 $0x88, s6;
	s7 =	simm.s32 @p2 $0x1082  }
0x22: {  	[simem:s7], [sflag:s8] =	dma.local @!p0 [hbm:s6], $0xF7A  }
0x23: {  	s9 =	sor.u32 $0xD0000000, s2;
	s6 =	simm.s32 $0x108;
	_ =	swait.ge @!p0 [sflag:s8], $0x0  }
0x24: {  	s3 =	sadd.s32 $0x88, s3;
	s6 =	simm.s32 @!p1 $0x1082;
	[sflag:s4] =	ssyncset.s32 $0xFFFFF086  }
0x25: {  	[simem:s6], [sflag:s4] =	dma.local [hbm:s3], $0xF7A  }
0x26: {  	[smem:$0x3F9D] =	sst s1;
	(tag) =	ssettag s2;
	_ =	strace s9  }
0x27: {  	s1 =	sld [smem:$0x3FAD]  }
0x28: {  	s2 =	sld [smem:$0x3FAE]  }
0x29: {  	s4 =	sld [smem:$0x3FB0]  }
0x2a: {  	p0 =	seq.s32 s5, $0x0;
	s5 =	sld [smem:$0x3FB1]  }
0x2b: {  	s6 =	sld [smem:$0x3FB2]  }
0x2c: {  	s7 =	sld [smem:$0x3FB3]  }
0x2d: {  	s3 =	simm.s32 $0x108;
	s8 =	sld [smem:$0x3FB4]  }
0x2e: {  	s3 =	simm.s32 @!p0 $0x1082;
	s9 =	sld [smem:$0x3FB5]  }
0x2f: {  	lr =	sadd.s32 s0, s3;
	s0 =	sld [smem:$0x3FAC]  }
0x30: {  	s3 =	sld [smem:$0x3FAF]  }
0x31: {  	[smem:$0x3FB8] =	sst s10  }
0x32: {  	s10 =	sld [smem:$0x3FB6];
	_ =	sdelay $0x3  }
0x33: {  	p0 =	seq.s32 s10, $0x1;
	s10 =	sld [smem:$0x3FB8];
	_ =	sdelay $0x3  }
0x34: {  	[smem:$0x3FB8] =	sst s10  }
0x35: {  	s10 =	sld [smem:$0x3FB7];
	_ =	sdelay $0x3  }
0x36: {  	p1 =	seq.s32 s10, $0x1;
	s10 =	sld [smem:$0x3FB8];
	_ =	sdelay $0x3  }
0x37: {  	[smem:$0x3FB8] =	sst s10  }
0x38: {  	s10 =	sld [smem:$0x3FB9]  }
0x39: {  	_ = 	snop;
	(pc) =	sbr.ind lr, $3  }
0x3a: {  	_ = 	snop  }
0x3b: {  	_ = 	snop  }
0x3c: {  	p2 =	seq.s32 s10, $0x1;
	s10 =	sld [smem:$0x3FB8]  }
0x3d: {  	_ =	shalt  }
0x3e: {  	_ =	shalt  }
0x3f: {  	_ =	shalt  }
0x40: {  	_ =	shalt  }
0x41: {  	_ =	shalt  }
0x42: {  	_ =	shalt  }
0x43: {  	_ =	shalt  }
0x44: {  	_ =	shalt  }
0x45: {  	_ =	shalt  }
0x46: {  	_ =	shalt  }
0x47: {  	_ =	shalt  }
0x48: {  	_ =	shalt  }
0x49: {  	_ =	shalt  }
0x4a: {  	_ =	shalt  }
0x4b: {  	_ =	shalt  }
0x4c: {  	_ =	shalt  }
0x4d: {  	_ =	shalt  }
0x4e: {  	_ =	shalt  }
0x4f: {  	_ =	shalt  }
0x50: {  	_ =	shalt  }
0x51: {  	_ =	shalt  }
0x52: {  	_ =	shalt  }
0x53: {  	_ =	shalt  }
0x54: {  	_ =	shalt  }
0x55: {  	_ =	shalt  }
0x56: {  	_ =	shalt  }
0x57: {  	_ =	shalt  }
0x58: {  	_ =	shalt  }
0x59: {  	_ =	shalt  }
0x5a: {  	_ =	shalt  }
0x5b: {  	_ =	shalt  }
0x5c: {  	_ =	shalt  }
0x5d: {  	_ =	shalt  }
0x5e: {  	_ =	shalt  }
0x5f: {  	_ =	shalt  }
0x60: {  	_ =	shalt  }
0x61: {  	_ =	shalt  }
0x62: {  	_ =	shalt  }
0x63: {  	_ =	shalt  }
0x64: {  	_ =	shalt  }
0x65: {  	_ =	shalt  }
0x66: {  	_ =	shalt  }
0x67: {  	_ =	shalt  }
0x68: {  	_ =	shalt  }
0x69: {  	_ =	shalt  }
0x6a: {  	_ =	shalt  }
0x6b: {  	_ =	shalt  }
0x6c: {  	_ =	shalt  }
0x6d: {  	_ =	shalt  }
0x6e: {  	_ =	shalt  }
0x6f: {  	_ =	shalt  }
0x70: {  	_ =	shalt  }
0x71: {  	_ =	shalt  }
0x72: {  	_ =	shalt  }
0x73: {  	_ =	shalt  }
0x74: {  	_ =	shalt  }
0x75: {  	_ =	shalt  }
0x76: {  	_ =	shalt  }
0x77: {  	_ =	shalt  }
0x78: {  	_ =	shalt  }
0x79: {  	_ =	shalt  }
0x7a: {  	_ =	shalt  }
0x7b: {  	_ =	shalt  }
0x7c: {  	_ =	shalt  }
0x7d: {  	_ =	shalt  }
0x7e: {  	_ =	shalt  }
0x7f: {  	_ =	shalt  }
0x80: {  	_ =	shalt  }
0x81: {  	_ =	shalt  }
0x82: {  	_ =	shalt  }
0x83: {  	_ =	shalt  }
0x84: {  	_ =	shalt  }
0x85: {  	_ =	shalt  }
0x86: {  	_ =	shalt  }
0x87: {  	_ =	shalt  }
.Lfunc_end0:
.L_simem_size_0:
called_computation_lowered:
.L_overlay_start_0:
0x88: {  	s2 =	sld [smem:$0x3FD9]  }
0x89: {  	s3 =	sld [smem:$0x3FFE];
	_ =	sdelay $0x1  }
0x8a: {  	s1 =	srdreg.scid  }
0x8b: {  	s0 =	sand.u32 $0x1, s1  }
0x8c: {  	s17 =	sshll.u32 s0, $0xA;
	s2 =	sadd.s32 s3, s2  }
0x8d: {  	s2 =	sadd.s32 s2, s17  }
0x8e: {  	[smem:$0x3FC4] =	sst s2  }
0x8f: {  	_ = 	snop  }
0x90: {  	s2 =	sld [smem:$0x3FC9]  }
0x91: {  	s18 =	sld [smem:$0x3FD0];
	(tm) =	ssettm $0x1  }
0x92: {  	s4 =	sld [smem:$0x3FFB];
	_ =	sdelay $0x3  }
0x93: {  	_ =	strace s4  }
0x94: {  	s4 =	sld [smem:$0x3FFC];
	_ =	sdelay $0x3  }
0x95: {  	_ =	strace s4  }
0x96: {  	s4 =	sld [smem:$0x3FFD];
	_ =	sdelay $0x3  }
0x97: {  	_ =	strace s4  }
0x98: {  	_ =	strace $0x8FFFFFFF  }
0x99: {  	s19 =	sld [smem:$0x3FDB];
	_ =	sdelay $0x1  }
0x9a: {  	s5 =	simm.s32 $_scs_section_size  }
0x9b: {  	s6 =	simm.s32 $_size__tile_overlayer_lowered;
	s7 =	simm.s32 $_tile_overlayer_lowered  }
0x9c: {  	s22 =	simm.s32 $0x1BFF;
	s21 =	sshll.u32 s7, $0x1;
	s4 =	sadd.s32 s5, s19  }
0x9d: {  	s8 =	simm.s32 $0x0;
	s20 =	sshll.u32 s6, $0x1;
	s6 =	sadd.s32 s21, s4  }
0x9e: {  	[timem:s8], [sflag:s22] =	dma.local [hbm:s6], s20  }
0x9f: {  	_ =	swait.ge [sflag:s22], s20  }
0xa0: {  	s5 =	ssub.s32 $0x0, s20;
	[sflag:s22] =	ssyncset.done $0x0  }
0xa1: {  	[sflag:s22] =	ssyncadd.s32 s5;
	_ =	sdelay $0x1  }
0xa2: {  	s23 =	simm.s32 $0x1B8B  }
0xa3: {  	_ =	swait.ge [sflag:s23], $0x1  }
0xa4: {  	[sflag:s23] =	ssyncset.done $0x0  }
0xa5: {  	s25 =	simm.s32 $0x1B8E;
	s24 =	sld [smem:$0x3FFE];
	[sflag:s23] =	ssyncadd.s32 $0xFFFFFFFF  }
0xa6: {  	s26 =	simm.s32 $execute0_lowered;
	[smem:$0x3FD2] =	sst s25  }
0xa7: {  	s6 =	sshll.u32 s26, $0x1;
	_ =	strace $0x80000046;
	[dreg:$0x1] =	wrdreg $0xFFFFFFFF  }
0xa8: {  	s28 =	simm.s32 $_size_execute0_lowered;
	s4 =	sadd.s32 s4, s6;
	[dreg:$0x0] =	wrdreg $0x0  }
0xa9: {  	s6 =	sshll.u32 s28, $0x1;
	[dreg:$0x2] =	wrdreg s4  }
0xaa: {  	[dreg:$0x3] =	wrdreg s6  }
0xab: {  	[dreg:$0x4] =	wrdreg $0xC0  }
0xac: {  	_ =	task [dreg:s8], $0x5FFFF  }
0xad: {  	[dreg:$0x1] =	wrdreg $0xFFFFFFFF  }
0xae: {  	[dreg:$0x0] =	wrdreg $0x60  }
0xaf: {  	[dreg:$0x2] =	wrdreg s2  }
0xb0: {  	[dreg:$0x3] =	wrdreg s18  }
0xb1: {  	[dreg:$0x4] =	wrdreg s24  }
0xb2: {  	[dreg:$0x5] =	wrdreg $0x9  }
0xb3: {  	_ =	task.clear_ibuf [dreg:s8], $0x6FFFF;
	_ =	strace $0x90000046  }
0xb4: {  	s29 =	simm.s32 $0x9;
	_ =	strace $0x80000048  }
0xb5: {  	_ =	swait.ge [sflag:s29], $0x1  }
0xb6: {  	[sflag:s29] =	ssyncadd.s32 $0xFFFFFFFF  }
0xb7: {  	_ =	strace $0x90000048  }
0xb8: {  	_ =	sfence  }
0xb9: {  	s30 =	sld [smem:$0x0];
	_ =	sdelay $0x2  }
0xba: {  	s31 =	sshll.u32 s1, $0xD;
	s1 =	sshrl.u32 s1, $0x2  }
0xbb: {  	s3 =	sand.u32 $0x4000, s31;
	s1 =	sadd.s32 s1, s30  }
0xbc: {  	s0 =	sor.u32 s3, s0;
	s1 =	sshll.u32 s1, $0x11  }
0xbd: {  	s0 =	sor.u32 s1, s0  }
0xbe: {  	s0 =	sadd.s32 $0x8F2B, s0  }
0xbf: {  	[sflag:s0] =	ssyncadd.remote.s32 $0x1  }
0xc0: {  	_ =	sfence.sel $0xFFFF  }
0xc1: {  	[dreg:$0x0] =	wrdreg $0xFFFFFFFF;
	(pc) =	sbr.abs _section_cstart, $3  }
0xc2: {  	[dreg:$0x1] =	wrdreg $0xFFFFFFFF  }
0xc3: {  	_ =	task.clear_ibuf [dreg:s8], $0x2FFFF;
	_ =	strace $0x9FFFFFFF  }
0xc4: {  	(tm) =	ssettm $0x7FFFFFFF  }
0xc5: {  	_ =	shalt  }
tec
execute0_lowered:
.L_overlay_start_1:
0x0: {  	(tag) =	ssettag $0x1  }
0x1: {  	s1 =	rddreg [dreg:$0x0]  }
0x2: {  	s2 =	srdreg.scid;
	s0 =	stileid.u32  }
0x3: {  	s4 =	rddreg [dreg:$0x1];
	s6 =	sand.u32 $0x1, s2;
	s30 =	sshll.u32 s0, $0x1  }
0x4: {  	s8 =	rddreg [dreg:$0x2];
	s3 =	simm.s32 $0x0;
	s7 =	sor.u32 s6, s30  }
0x5: {  	[smem:$0x7FF] =	sst s3;
	s5 =	smul.u32 $0x60, s7  }
0x6: {  	s2 =	rddreg [dreg:$0x3];
	_ =	strace $0x80000047;
	s10 =	ssub.s32 $0x2, s6  }
0x7: {  	s6 =	simm.s32 $0x300;
	s5 =	sadd.s32 s4, s5;
	s4 =	simm.s32 $0x2  }
0x8: {  	[tilespmem:s3], [sflag:$0x2] =	stream.linear.gather [hbm4b:s5+s3], $0x300, $0x38;
	[tilespmem:$0x18300] =	vst v63  }
0x9: {  	s9 =	smul.u32 $0x3000, s7;
	s11 =	sshrl.u32 s10, $0x1;
	_ =	swait.ge [sflag:s4], $0x300  }
0xa: {  	s7 =	simm.s32 $0x1;
	s31 =	ssub.s32 s10, s11;
	[sflag:s4] =	ssyncset.done $0x0  }
0xb: {  	s8 =	sadd.s32 s9, s8;
	s9 =	smax.u32 s31, $0x1;
	[sflag:s4] =	ssyncadd.s32 $0xFFFFFD00  }
0xc: {  	[tilespmem:s6], [sflag:$0x1] =	stream.indirect.gather [hbm4b:s1+s6], $0x80, s3, s6, $0xb8;
	[tilespmem:$0x18300] =	vst v63  }
0xd: {  	p0 =	sne.s32 s9, $0x1;
	_ =	swait.ge [sflag:s7], $0x18000  }
.Ltmp0:
0xe: {  	[sflag:s7] =	ssyncset.done $0x0;
	(pc) =	sbr.rel @!p0 .LBB2_2-.Ltmp0, $4  }
0xf: {  	s8 =	sadd.s32 $0x800, s8;
	[sflag:s7] =	ssyncadd.s32 $0xFFFE8000  }
0x10: {  	[hbm4b:s8+s3] =	stream.linear.scatter [tilespmem:s6], [sflag:$0x2], $0x18000, $0x38;
	[tilespmem:$0x18300] =	vst v63  }
0x11: {  	_ =	swait.ge [sflag:s4], $0x18000  }
0x12: {  	s9 =	sadd.s32 $0xFFFFFFFF, s9;
	[sflag:s4] =	ssyncset.done $0x0  }
.LBB2_1:
0x13: {  	p0 =	sne.s32 s9, $0x1;
	s9 =	sadd.s32 $0xFFFFFFFF, s9;
	[sflag:s4] =	ssyncadd.s32 $0xFFFE8000  }
0x14: {  	[tilespmem:s3], [sflag:$0x2] =	stream.linear.gather [hbm4b:s5+s3], $0x300, $0x38;
	[tilespmem:$0x18300] =	vst v63  }
0x15: {  	_ =	swait.ge [sflag:s4], $0x300  }
0x16: {  	[sflag:s4] =	ssyncset.done $0x0  }
0x17: {  	[sflag:s4] =	ssyncadd.s32 $0xFFFFFD00  }
0x18: {  	[tilespmem:s6], [sflag:$0x1] =	stream.indirect.gather [hbm4b:s1+s6], $0x80, s3, s6, $0xb8;
	[tilespmem:$0x18300] =	vst v63  }
0x19: {  	_ =	swait.ge [sflag:s7], $0x18000  }
.Ltmp1:
0x1a: {  	[sflag:s7] =	ssyncset.done $0x0;
	(pc) =	sbr.rel @p0 .LBB2_1-.Ltmp1, $4  }
0x1b: {  	[sflag:s7] =	ssyncadd.s32 $0xFFFE8000  }
0x1c: {  	[hbm4b:s8+s3] =	stream.linear.scatter [tilespmem:s6], [sflag:$0x2], $0x18000, $0x38;
	[tilespmem:$0x18300] =	vst v63  }
0x1d: {  	_ =	swait.ge [sflag:s4], $0x18000  }
0x1e: {  	[sflag:s4] =	ssyncset.done $0x0  }
.LBB2_2:
0x1f: {  	[sflag:s4] =	ssyncadd.s32 $0xFFFE8000  }
0x20: {  	_ =	sfence.sel $0x180000  }
0x21: {  	[bflag:$0x0] =	sbarrier.arrive $0xFFFF  }
0x22: {  	p0 =	sne.s32 s0, $0x0;
	_ =	strace $0x90000047  }
0x23: {  	s0 =	sadd.s32 @!p0 $0x100000, s2;
	[bflag:$0x2] =	sbarrier.arrive $0xFFFF  }
0x24: {  	[sflag:s0] =	ssyncadd.tile.s32 @!p0 $0x1;
	_ =	shalt  }
.Lfunc_end2:
_tile_overlayer_lowered:
.L_overlay_start_2:
0x25: {  	(tag) =	ssettag $0x2  }
0x26: {  	s0 =	rddreg [dreg:$0x0];
	s2 =	stileid.u32  }
0x27: {  	s1 =	rddreg [dreg:$0x1];
	p0 =	sne.s32 s2, $0x0  }
0x28: {  	s3 =	rddreg [dreg:$0x2];
	[bflag:$0x3] =	sbarrier.arrive $0xFFFF;
	s2 =	simm.s32 @!p0 $0x1C02  }
0x29: {  	[timem:s3], [sflag:s2] =	dma.local @!p0 [hbm:s0], s1  }
0x2a: {  	s0 =	simm.s32 @!p0 $0x2  }
0x2b: {  	_ =	swait.ge @!p0 [sflag:s0], s1  }
0x2c: {  	s1 =	ssub.s32 @!p0 $0x0, s1;
	[sflag:s0] =	ssyncset.done @!p0 $0x0  }
0x2d: {  	[sflag:s0] =	ssyncadd.s32 @!p0 s1  }
0x2e: {  	[bflag:$0x3] =	sbarrier.arrive $0xFFFF  }
0x2f: {  	_ =	shalt  }

</sc_bundles>
